<compile_context>
chip_gen: v7x
topology: tpu7x:2x2x1
jax: 0.10.2.dev20260603
libtpu: 0.0.44.dev20260713+nightly
codegen_flags: <defaults>
</compile_context>

<pallas_src>
import functools
import jax
import jax.numpy as jnp
from jax import lax
from jax.experimental import pallas as pl
from jax.experimental.pallas import tpu as pltpu
from jax.experimental.pallas import tpu_sc as plsc

_E = 64
_TOPK = 8
_ROUTED_SCALING = 2.5
_NW = 32
_L = 16


def _score_kernel(x_ref, wt_ref, b_ref, s_ref):
    logits = jnp.dot(x_ref[...], wt_ref[...],
                     preferred_element_type=jnp.float32)
    s_ref[...] = jax.nn.sigmoid(logits) + b_ref[...]


def _scores_tc(x, wt, biases, t):
    tb = 4096
    return pl.pallas_call(
        _score_kernel,
        grid=(t // tb,),
        in_specs=[
            pl.BlockSpec((tb, 768), lambda i: (i, 0)),
            pl.BlockSpec((768, _E), lambda i: (0, 0)),
            pl.BlockSpec((1, _E), lambda i: (0, 0)),
        ],
        out_specs=pl.BlockSpec((tb, _E), lambda i: (i, 0)),
        out_shape=jax.ShapeDtypeStruct((t, _E), jnp.float32),
    )(x, wt, biases)


def _merge(ak, av, bk, bv, lanes):
    mk = jnp.where(lanes < 8, ak, lax.rev(bk, (0,)))
    mv = jnp.where(lanes < 8, av, lax.rev(bv, (0,)))
    return plsc.sort_key_val(mk, mv, descending=True)


def _make_sc_topk(t):
    per_w = t // _NW
    mesh = plsc.VectorSubcoreMesh(core_axis_name="c", subcore_axis_name="s")

    @functools.partial(
        pl.kernel, mesh=mesh,
        compiler_params=pltpu.CompilerParams(needs_layout_passes=False),
        out_type=[
            jax.ShapeDtypeStruct((t * _TOPK,), jnp.int32),
            jax.ShapeDtypeStruct((t * _TOPK,), jnp.float32),
        ],
        scratch_types=[
            pltpu.VMEM((per_w * _E,), jnp.float32),
            pltpu.VMEM((per_w * _TOPK + _L,), jnp.int32),
            pltpu.VMEM((per_w * _TOPK + _L,), jnp.float32),
        ],
    )
    def sc_topk(s_hbm, idx_hbm, w_hbm, sbuf, ibuf, wbuf):
        wid = lax.axis_index("s") * 2 + lax.axis_index("c")
        base = wid * per_w
        pltpu.sync_copy(s_hbm.at[pl.ds(base * _E, per_w * _E)], sbuf)
        lanes = lax.iota(jnp.int32, _L)
        mask8 = lanes < 8

        def body(tok, _):
            off = tok * _E
            ks = []
            vs = []
            for j in range(4):
                sj = sbuf[pl.ds(off + j * _L, _L)]
                vj = lanes + (j * _L)
                kj, vj = plsc.sort_key_val(sj, vj, descending=True)
                ks.append(kj)
                vs.append(vj)
            k01, v01 = _merge(ks[0], vs[0], ks[1], vs[1], lanes)
            k23, v23 = _merge(ks[2], vs[2], ks[3], vs[3], lanes)
            kf, vf = _merge(k01, v01, k23, v23, lanes)
            denom = jnp.sum(jnp.where(mask8, kf, 0.0), axis=0) + 1e-20
            wv = (kf * _ROUTED_SCALING) / lax.broadcast(denom, (_L,))
            plsc.store_compressed(ibuf.at[pl.ds(tok * _TOPK, _L)], vf, mask=mask8)
            plsc.store_compressed(wbuf.at[pl.ds(tok * _TOPK, _L)], wv, mask=mask8)
            return _

        lax.fori_loop(0, per_w, body, 0, unroll=2)
        pltpu.sync_copy(ibuf.at[pl.ds(0, per_w * _TOPK)],
                        idx_hbm.at[pl.ds(base * _TOPK, per_w * _TOPK)])
        pltpu.sync_copy(wbuf.at[pl.ds(0, per_w * _TOPK)],
                        w_hbm.at[pl.ds(base * _TOPK, per_w * _TOPK)])

    return sc_topk


def kernel(hidden_states, weight, biases):
    b, s, h = hidden_states.shape
    t = b * s
    x = hidden_states.reshape(t, h)
    scores = _scores_tc(x, weight.T, biases, t)
    idx_flat, w_flat = _make_sc_topk(t)(scores.reshape(-1))
    return (idx_flat.reshape(t, _TOPK), w_flat.reshape(t, _TOPK))

# --- scband reference (transcript-rebuilt; emitter-appended) ---
"""Pipeline reference for scband-mo-egate-24996709663419 (READ-ONLY COPY).

The authoritative reference and input builder live on the scoring server;
editing this copy changes nothing except your own understanding.
"""

import jax, jax.numpy as jnp
import numpy as np

B, S, HIDDEN = 4, 8192, 768
E = 64
TOPK = 8
ROUTED_SCALING = 2.5


def setup_inputs(seed: int = 0) -> dict:
    key = jax.random.key(seed)
    k1, k2 = jax.random.split(key, 2)
    hidden_states = jax.random.normal(k1, (B, S, HIDDEN), dtype=jnp.float32)
    # kaiming_uniform_(a=sqrt(5)) on [E, HIDDEN] -> U(-1/sqrt(fan_in), 1/sqrt(fan_in))
    bound = 1.0 / np.sqrt(HIDDEN)
    weight = jax.random.uniform(k2, (E, HIDDEN), minval=-bound, maxval=bound, dtype=jnp.float32)
    biases = jnp.zeros((1, E), dtype=jnp.float32)
    return {"hidden_states": hidden_states, "weight": weight, "biases": biases}


def reference(hidden_states, weight, biases):
    # eval-mode forward (training aux loss / bias update are skipped, aux_loss=None)
    b, s, h = hidden_states.shape
    x = hidden_states.reshape(-1, h)
    logits = x @ weight.T  # [T, E]
    scores = jax.nn.sigmoid(logits)
    _, topk_idx = jax.lax.top_k(scores + biases, TOPK)  # biases broadcast [1,E]
    topk_weight = jnp.take_along_axis(scores, topk_idx, axis=-1)
    # norm_topk_prob (top_k > 1)
    denominator = jnp.sum(topk_weight, axis=-1, keepdims=True) + 1e-20
    topk_weight = topk_weight / denominator
    # routed_scaling_factor > 0
    topk_weight = topk_weight * ROUTED_SCALING
    return topk_idx, topk_weight

if __name__ == "__main__":
    import jax
    _d = setup_inputs()
    print(jax.jit(kernel)(*tuple(_d.values())))

</pallas_src>

<mosaic_0001>
#map = affine_map<(d0, d1) -> (0)>
module attributes {stable_mosaic.version = 14 : i64} {
  func.func @sc_topk(%arg0: i32, %arg1: i32, %arg2: memref<2097152xf32, #tpu.memory_space<hbm>>, %arg3: memref<262144xi32, #tpu.memory_space<hbm>>, %arg4: memref<262144xf32, #tpu.memory_space<hbm>>, %arg5: memref<65536xf32, #tpu.memory_space<vmem>>, %arg6: memref<8208xi32, #tpu.memory_space<vmem>>, %arg7: memref<8208xf32, #tpu.memory_space<vmem>>) attributes {dimension_semantics = [#tpu.dimension_semantics<core_parallel>, #tpu.dimension_semantics<subcore_parallel>], iteration_bounds = array<i64: 2, 16>, scalar_prefetch = 0 : i64, scratch_operands = 3 : i64, tpu.core_type = #tpu.core_type<sc_vector_subcore>, window_params = [{transform_indices = #map}, {transform_indices = #map}, {transform_indices = #map}]} {
    %mul3A = arith.constant 2 : i32
    %mul3A_0 = arith.muli %arg1, %mul3A : i32
    %add3A = arith.addi %mul3A_0, %arg0 : i32
    %mul3A_1 = arith.constant 1024 : i32
    %mul3A_2 = arith.muli %add3A, %mul3A_1 : i32
    %mul3A_3 = arith.constant 64 : i32
    %mul3A_4 = arith.muli %mul3A_2, %mul3A_3 : i32
    "tpu.region"() ({
      %run_scoped3A = tpu.sem_alloc : memref<!tpu.dma_semaphore, #tpu.memory_space<semaphore_mem>>
      %dma_start3A = tpu.memref_slice %arg2[%mul3A_4] : memref<2097152xf32, #tpu.memory_space<hbm>> -> memref<65536xf32, #tpu.memory_space<hbm>>
      %dma_start3A_16 = tpu.memref_slice %arg2[%mul3A_4] : memref<2097152xf32, #tpu.memory_space<hbm>> -> memref<65536xf32, #tpu.memory_space<hbm>>
      tpu.enqueue_dma source(%dma_start3A_16 : memref<65536xf32, #tpu.memory_space<hbm>>) target(%arg5 : memref<65536xf32, #tpu.memory_space<vmem>>) target_semaphore(%run_scoped3A : memref<!tpu.dma_semaphore, #tpu.memory_space<semaphore_mem>>)
      %dma_wait3A = tpu.memref_slice %arg2[%mul3A_4] : memref<2097152xf32, #tpu.memory_space<hbm>> -> memref<65536xf32, #tpu.memory_space<hbm>>
      %dma_wait3A_17 = tpu.memref_slice %arg2[%mul3A_4] : memref<2097152xf32, #tpu.memory_space<hbm>> -> memref<65536xf32, #tpu.memory_space<hbm>>
      tpu.wait_dma2 semaphore(%run_scoped3A : memref<!tpu.dma_semaphore, #tpu.memory_space<semaphore_mem>>) src(%dma_wait3A_17 : memref<65536xf32, #tpu.memory_space<hbm>>) dst(%arg5 : memref<65536xf32, #tpu.memory_space<vmem>>)
      tpu.yield
    }) : () -> ()
    %iota3A = tpu.iota {dimensions = array<i32: 0>} : vector<16xi32>
    %lt3A = arith.constant 8 : i32
    %lt3A_5 = vector.broadcast %lt3A : i32 to vector<16xi32>
    %lt3A_6 = arith.cmpi slt, %iota3A, %lt3A_5 : vector<16xi32>
    %scan3A = arith.constant 0 : i32
    %scan3A_7 = arith.constant 0 : i32
    %scan3A_8 = arith.constant 1024 : i32
    %scan3A_9 = arith.addi %scan3A_7, %scan3A_8 : i32
    %scan3A_10 = arith.constant 2 : i32
    scf.for %scan3A_16 = %scan3A_7 to %scan3A_9 step %scan3A_10  : i32 {
      %mul3A_17 = arith.constant 64 : i32
      %mul3A_18 = arith.muli %scan3A_16, %mul3A_17 : i32
      %add3A_19 = arith.constant 0 : i32
      %add3A_20 = arith.addi %mul3A_18, %add3A_19 : i32
      %get3A = arith.index_cast %add3A_20 : i32 to index
      %get3A_21 = tpu.vector_load %arg5[%get3A] {strides = array<i32>} : memref<65536xf32, #tpu.memory_space<vmem>>, vector<16xf32>,
      %add3A_22 = arith.constant 0 : i32
      %add3A_23 = vector.broadcast %add3A_22 : i32 to vector<16xi32>
      %add3A_24 = arith.addi %iota3A, %add3A_23 : vector<16xi32>
      %masked_sort3A = arith.constant dense<true> : vector<16xi1>
      %masked_sort3A_25, %masked_sort3A_26, %masked_sort3A_27 = tpu.sort %get3A_21, %add3A_24 masked %masked_sort3A {descending = true} : (vector<16xf32>, vector<16xi32>, vector<16xi1>) -> (vector<16xi1>, vector<16xf32>, vector<16xi32>)
      %add3A_28 = arith.constant 16 : i32
      %add3A_29 = arith.addi %mul3A_18, %add3A_28 : i32
      %get3A_30 = arith.index_cast %add3A_29 : i32 to index
      %get3A_31 = tpu.vector_load %arg5[%get3A_30] {strides = array<i32>} : memref<65536xf32, #tpu.memory_space<vmem>>, vector<16xf32>,
      %add3A_32 = arith.constant 16 : i32
      %add3A_33 = vector.broadcast %add3A_32 : i32 to vector<16xi32>
      %add3A_34 = arith.addi %iota3A, %add3A_33 : vector<16xi32>
      %masked_sort3A_35 = arith.constant dense<true> : vector<16xi1>
      %masked_sort3A_36, %masked_sort3A_37, %masked_sort3A_38 = tpu.sort %get3A_31, %add3A_34 masked %masked_sort3A_35 {descending = true} : (vector<16xf32>, vector<16xi32>, vector<16xi1>) -> (vector<16xi1>, vector<16xf32>, vector<16xi32>)
      %add3A_39 = arith.constant 32 : i32
      %add3A_40 = arith.addi %mul3A_18, %add3A_39 : i32
      %get3A_41 = arith.index_cast %add3A_40 : i32 to index
      %get3A_42 = tpu.vector_load %arg5[%get3A_41] {strides = array<i32>} : memref<65536xf32, #tpu.memory_space<vmem>>, vector<16xf32>,
      %add3A_43 = arith.constant 32 : i32
      %add3A_44 = vector.broadcast %add3A_43 : i32 to vector<16xi32>
      %add3A_45 = arith.addi %iota3A, %add3A_44 : vector<16xi32>
      %masked_sort3A_46 = arith.constant dense<true> : vector<16xi1>
      %masked_sort3A_47, %masked_sort3A_48, %masked_sort3A_49 = tpu.sort %get3A_42, %add3A_45 masked %masked_sort3A_46 {descending = true} : (vector<16xf32>, vector<16xi32>, vector<16xi1>) -> (vector<16xi1>, vector<16xf32>, vector<16xi32>)
      %add3A_50 = arith.constant 48 : i32
      %add3A_51 = arith.addi %mul3A_18, %add3A_50 : i32
      %get3A_52 = arith.index_cast %add3A_51 : i32 to index
      %get3A_53 = tpu.vector_load %arg5[%get3A_52] {strides = array<i32>} : memref<65536xf32, #tpu.memory_space<vmem>>, vector<16xf32>,
      %add3A_54 = arith.constant 48 : i32
      %add3A_55 = vector.broadcast %add3A_54 : i32 to vector<16xi32>
      %add3A_56 = arith.addi %iota3A, %add3A_55 : vector<16xi32>
      %masked_sort3A_57 = arith.constant dense<true> : vector<16xi1>
      %masked_sort3A_58, %masked_sort3A_59, %masked_sort3A_60 = tpu.sort %get3A_53, %add3A_56 masked %masked_sort3A_57 {descending = true} : (vector<16xf32>, vector<16xi32>, vector<16xi1>) -> (vector<16xi1>, vector<16xf32>, vector<16xi32>)
      %lt3A_61 = arith.constant 8 : i32
      %lt3A_62 = vector.broadcast %lt3A_61 : i32 to vector<16xi32>
      %lt3A_63 = arith.cmpi slt, %iota3A, %lt3A_62 : vector<16xi32>
      %rev3A = arith.constant 15 : i32
      %rev3A_64 = vector.broadcast %rev3A : i32 to vector<16xi32>
      %rev3A_65 = tpu.iota {dimensions = array<i32: 0>} : vector<16xi32>
      %rev3A_66 = arith.subi %rev3A_64, %rev3A_65 : vector<16xi32>
      %rev3A_67 = tpu.dynamic_gather %masked_sort3A_37[%rev3A_66] in [0] : vector<16xf32>, vector<16xi32> -> vector<16xf32>
      %select_n3A = arith.select %lt3A_63, %masked_sort3A_26, %rev3A_67 : vector<16xi1>, vector<16xf32>
      %lt3A_68 = arith.constant 8 : i32
      %lt3A_69 = vector.broadcast %lt3A_68 : i32 to vector<16xi32>
      %lt3A_70 = arith.cmpi slt, %iota3A, %lt3A_69 : vector<16xi32>
      %rev3A_71 = arith.constant 15 : i32
      %rev3A_72 = vector.broadcast %rev3A_71 : i32 to vector<16xi32>
      %rev3A_73 = tpu.iota {dimensions = array<i32: 0>} : vector<16xi32>
      %rev3A_74 = arith.subi %rev3A_72, %rev3A_73 : vector<16xi32>
      %rev3A_75 = tpu.dynamic_gather %masked_sort3A_38[%rev3A_74] in [0] : vector<16xi32>, vector<16xi32> -> vector<16xi32>
      %select_n3A_76 = arith.select %lt3A_70, %masked_sort3A_27, %rev3A_75 : vector<16xi1>, vector<16xi32>
      %masked_sort3A_77 = arith.constant dense<true> : vector<16xi1>
      %masked_sort3A_78, %masked_sort3A_79, %masked_sort3A_80 = tpu.sort %select_n3A, %select_n3A_76 masked %masked_sort3A_77 {descending = true} : (vector<16xf32>, vector<16xi32>, vector<16xi1>) -> (vector<16xi1>, vector<16xf32>, vector<16xi32>)
      %lt3A_81 = arith.constant 8 : i32
      %lt3A_82 = vector.broadcast %lt3A_81 : i32 to vector<16xi32>
      %lt3A_83 = arith.cmpi slt, %iota3A, %lt3A_82 : vector<16xi32>
      %rev3A_84 = arith.constant 15 : i32
      %rev3A_85 = vector.broadcast %rev3A_84 : i32 to vector<16xi32>
      %rev3A_86 = tpu.iota {dimensions = array<i32: 0>} : vector<16xi32>
      %rev3A_87 = arith.subi %rev3A_85, %rev3A_86 : vector<16xi32>
      %rev3A_88 = tpu.dynamic_gather %masked_sort3A_59[%rev3A_87] in [0] : vector<16xf32>, vector<16xi32> -> vector<16xf32>
      %select_n3A_89 = arith.select %lt3A_83, %masked_sort3A_48, %rev3A_88 : vector<16xi1>, vector<16xf32>
      %lt3A_90 = arith.constant 8 : i32
      %lt3A_91 = vector.broadcast %lt3A_90 : i32 to vector<16xi32>
      %lt3A_92 = arith.cmpi slt, %iota3A, %lt3A_91 : vector<16xi32>
      %rev3A_93 = arith.constant 15 : i32
      %rev3A_94 = vector.broadcast %rev3A_93 : i32 to vector<16xi32>
      %rev3A_95 = tpu.iota {dimensions = array<i32: 0>} : vector<16xi32>
      %rev3A_96 = arith.subi %rev3A_94, %rev3A_95 : vector<16xi32>
      %rev3A_97 = tpu.dynamic_gather %masked_sort3A_60[%rev3A_96] in [0] : vector<16xi32>, vector<16xi32> -> vector<16xi32>
      %select_n3A_98 = arith.select %lt3A_92, %masked_sort3A_49, %rev3A_97 : vector<16xi1>, vector<16xi32>
      %masked_sort3A_99 = arith.constant dense<true> : vector<16xi1>
      %masked_sort3A_100, %masked_sort3A_101, %masked_sort3A_102 = tpu.sort %select_n3A_89, %select_n3A_98 masked %masked_sort3A_99 {descending = true} : (vector<16xf32>, vector<16xi32>, vector<16xi1>) -> (vector<16xi1>, vector<16xf32>, vector<16xi32>)
      %lt3A_103 = arith.constant 8 : i32
      %lt3A_104 = vector.broadcast %lt3A_103 : i32 to vector<16xi32>
      %lt3A_105 = arith.cmpi slt, %iota3A, %lt3A_104 : vector<16xi32>
      %rev3A_106 = arith.constant 15 : i32
      %rev3A_107 = vector.broadcast %rev3A_106 : i32 to vector<16xi32>
      %rev3A_108 = tpu.iota {dimensions = array<i32: 0>} : vector<16xi32>
      %rev3A_109 = arith.subi %rev3A_107, %rev3A_108 : vector<16xi32>
      %rev3A_110 = tpu.dynamic_gather %masked_sort3A_101[%rev3A_109] in [0] : vector<16xf32>, vector<16xi32> -> vector<16xf32>
      %select_n3A_111 = arith.select %lt3A_105, %masked_sort3A_79, %rev3A_110 : vector<16xi1>, vector<16xf32>
      %lt3A_112 = arith.constant 8 : i32
      %lt3A_113 = vector.broadcast %lt3A_112 : i32 to vector<16xi32>
      %lt3A_114 = arith.cmpi slt, %iota3A, %lt3A_113 : vector<16xi32>
      %rev3A_115 = arith.constant 15 : i32
      %rev3A_116 = vector.broadcast %rev3A_115 : i32 to vector<16xi32>
      %rev3A_117 = tpu.iota {dimensions = array<i32: 0>} : vector<16xi32>
      %rev3A_118 = arith.subi %rev3A_116, %rev3A_117 : vector<16xi32>
      %rev3A_119 = tpu.dynamic_gather %masked_sort3A_102[%rev3A_118] in [0] : vector<16xi32>, vector<16xi32> -> vector<16xi32>
      %select_n3A_120 = arith.select %lt3A_114, %masked_sort3A_80, %rev3A_119 : vector<16xi1>, vector<16xi32>
      %masked_sort3A_121 = arith.constant dense<true> : vector<16xi1>
      %masked_sort3A_122, %masked_sort3A_123, %masked_sort3A_124 = tpu.sort %select_n3A_111, %select_n3A_120 masked %masked_sort3A_121 {descending = true} : (vector<16xf32>, vector<16xi32>, vector<16xi1>) -> (vector<16xi1>, vector<16xf32>, vector<16xi32>)
      %jit3A = arith.constant 0.000000e+00 : f32
      %broadcast_in_dim3A = vector.broadcast %jit3A : f32 to vector<16xf32>
      %select_n3A_125 = arith.select %lt3A_6, %masked_sort3A_123, %broadcast_in_dim3A : vector<16xi1>, vector<16xf32>
      %reduce_sum3A = arith.constant true
      %reduce_sum3A_126 = vector.broadcast %reduce_sum3A : i1 to vector<16xi1>
      %reduce_sum3A_127 = tpu.scan <sum>, %select_n3A_125 masked %reduce_sum3A_126 : vector<16xf32>, vector<16xi1> -> vector<16xf32>
      %reduce_sum3A_128 = vector.extract %reduce_sum3A_127[15] : f32 from vector<16xf32>
      %add3A_129 = arith.constant 9.99999968E-21 : f32
      %add3A_130 = arith.addf %reduce_sum3A_128, %add3A_129 : f32
      %mul3A_131 = arith.constant 2.500000e+00 : f32
      %mul3A_132 = vector.broadcast %mul3A_131 : f32 to vector<16xf32>
      %mul3A_133 = arith.mulf %masked_sort3A_123, %mul3A_132 : vector<16xf32>
      %broadcast_in_dim3A_134 = vector.broadcast %add3A_130 : f32 to vector<16xf32>
      %div3A = arith.divf %mul3A_133, %broadcast_in_dim3A_134 : vector<16xf32>
      %mul3A_135 = arith.constant 8 : i32
      %mul3A_136 = arith.muli %scan3A_16, %mul3A_135 : i32
      %swap3A = arith.index_cast %mul3A_136 : i32 to index
      %swap3A_137 = tpu.vector_load %arg6[%swap3A] masked %lt3A_6 {strides = array<i32>} : memref<8208xi32, #tpu.memory_space<vmem>>, vector<16xi32>, vector<16xi1>
      tpu.vector_store %arg6[%swap3A], %masked_sort3A_124 masked %lt3A_6 {strides = array<i32>} : memref<8208xi32, #tpu.memory_space<vmem>>, vector<16xi32>, vector<16xi1>
      %mul3A_138 = arith.constant 8 : i32
      %mul3A_139 = arith.muli %scan3A_16, %mul3A_138 : i32
      %swap3A_140 = arith.index_cast %mul3A_139 : i32 to index
      %swap3A_141 = tpu.vector_load %arg7[%swap3A_140] masked %lt3A_6 {strides = array<i32>} : memref<8208xf32, #tpu.memory_space<vmem>>, vector<16xf32>, vector<16xi1>
      tpu.vector_store %arg7[%swap3A_140], %div3A masked %lt3A_6 {strides = array<i32>} : memref<8208xf32, #tpu.memory_space<vmem>>, vector<16xf32>, vector<16xi1>
      %scan3A_142 = arith.constant 1 : i32
      %scan3A_143 = arith.addi %scan3A_16, %scan3A_142 : i32
      %mul3A_144 = arith.constant 64 : i32
      %mul3A_145 = arith.muli %scan3A_143, %mul3A_144 : i32
      %add3A_146 = arith.constant 0 : i32
      %add3A_147 = arith.addi %mul3A_145, %add3A_146 : i32
      %get3A_148 = arith.index_cast %add3A_147 : i32 to index
      %get3A_149 = tpu.vector_load %arg5[%get3A_148] {strides = array<i32>} : memref<65536xf32, #tpu.memory_space<vmem>>, vector<16xf32>,
      %add3A_150 = arith.constant 0 : i32
      %add3A_151 = vector.broadcast %add3A_150 : i32 to vector<16xi32>
      %add3A_152 = arith.addi %iota3A, %add3A_151 : vector<16xi32>
      %masked_sort3A_153 = arith.constant dense<true> : vector<16xi1>
      %masked_sort3A_154, %masked_sort3A_155, %masked_sort3A_156 = tpu.sort %get3A_149, %add3A_152 masked %masked_sort3A_153 {descending = true} : (vector<16xf32>, vector<16xi32>, vector<16xi1>) -> (vector<16xi1>, vector<16xf32>, vector<16xi32>)
      %add3A_157 = arith.constant 16 : i32
      %add3A_158 = arith.addi %mul3A_145, %add3A_157 : i32
      %get3A_159 = arith.index_cast %add3A_158 : i32 to index
      %get3A_160 = tpu.vector_load %arg5[%get3A_159] {strides = array<i32>} : memref<65536xf32, #tpu.memory_space<vmem>>, vector<16xf32>,
      %add3A_161 = arith.constant 16 : i32
      %add3A_162 = vector.broadcast %add3A_161 : i32 to vector<16xi32>
      %add3A_163 = arith.addi %iota3A, %add3A_162 : vector<16xi32>
      %masked_sort3A_164 = arith.constant dense<true> : vector<16xi1>
      %masked_sort3A_165, %masked_sort3A_166, %masked_sort3A_167 = tpu.sort %get3A_160, %add3A_163 masked %masked_sort3A_164 {descending = true} : (vector<16xf32>, vector<16xi32>, vector<16xi1>) -> (vector<16xi1>, vector<16xf32>, vector<16xi32>)
      %add3A_168 = arith.constant 32 : i32
      %add3A_169 = arith.addi %mul3A_145, %add3A_168 : i32
      %get3A_170 = arith.index_cast %add3A_169 : i32 to index
      %get3A_171 = tpu.vector_load %arg5[%get3A_170] {strides = array<i32>} : memref<65536xf32, #tpu.memory_space<vmem>>, vector<16xf32>,
      %add3A_172 = arith.constant 32 : i32
      %add3A_173 = vector.broadcast %add3A_172 : i32 to vector<16xi32>
      %add3A_174 = arith.addi %iota3A, %add3A_173 : vector<16xi32>
      %masked_sort3A_175 = arith.constant dense<true> : vector<16xi1>
      %masked_sort3A_176, %masked_sort3A_177, %masked_sort3A_178 = tpu.sort %get3A_171, %add3A_174 masked %masked_sort3A_175 {descending = true} : (vector<16xf32>, vector<16xi32>, vector<16xi1>) -> (vector<16xi1>, vector<16xf32>, vector<16xi32>)
      %add3A_179 = arith.constant 48 : i32
      %add3A_180 = arith.addi %mul3A_145, %add3A_179 : i32
      %get3A_181 = arith.index_cast %add3A_180 : i32 to index
      %get3A_182 = tpu.vector_load %arg5[%get3A_181] {strides = array<i32>} : memref<65536xf32, #tpu.memory_space<vmem>>, vector<16xf32>,
      %add3A_183 = arith.constant 48 : i32
      %add3A_184 = vector.broadcast %add3A_183 : i32 to vector<16xi32>
      %add3A_185 = arith.addi %iota3A, %add3A_184 : vector<16xi32>
      %masked_sort3A_186 = arith.constant dense<true> : vector<16xi1>
      %masked_sort3A_187, %masked_sort3A_188, %masked_sort3A_189 = tpu.sort %get3A_182, %add3A_185 masked %masked_sort3A_186 {descending = true} : (vector<16xf32>, vector<16xi32>, vector<16xi1>) -> (vector<16xi1>, vector<16xf32>, vector<16xi32>)
      %lt3A_190 = arith.constant 8 : i32
      %lt3A_191 = vector.broadcast %lt3A_190 : i32 to vector<16xi32>
      %lt3A_192 = arith.cmpi slt, %iota3A, %lt3A_191 : vector<16xi32>
      %rev3A_193 = arith.constant 15 : i32
      %rev3A_194 = vector.broadcast %rev3A_193 : i32 to vector<16xi32>
      %rev3A_195 = tpu.iota {dimensions = array<i32: 0>} : vector<16xi32>
      %rev3A_196 = arith.subi %rev3A_194, %rev3A_195 : vector<16xi32>
      %rev3A_197 = tpu.dynamic_gather %masked_sort3A_166[%rev3A_196] in [0] : vector<16xf32>, vector<16xi32> -> vector<16xf32>
      %select_n3A_198 = arith.select %lt3A_192, %masked_sort3A_155, %rev3A_197 : vector<16xi1>, vector<16xf32>
      %lt3A_199 = arith.constant 8 : i32
      %lt3A_200 = vector.broadcast %lt3A_199 : i32 to vector<16xi32>
      %lt3A_201 = arith.cmpi slt, %iota3A, %lt3A_200 : vector<16xi32>
      %rev3A_202 = arith.constant 15 : i32
      %rev3A_203 = vector.broadcast %rev3A_202 : i32 to vector<16xi32>
      %rev3A_204 = tpu.iota {dimensions = array<i32: 0>} : vector<16xi32>
      %rev3A_205 = arith.subi %rev3A_203, %rev3A_204 : vector<16xi32>
      %rev3A_206 = tpu.dynamic_gather %masked_sort3A_167[%rev3A_205] in [0] : vector<16xi32>, vector<16xi32> -> vector<16xi32>
      %select_n3A_207 = arith.select %lt3A_201, %masked_sort3A_156, %rev3A_206 : vector<16xi1>, vector<16xi32>
      %masked_sort3A_208 = arith.constant dense<true> : vector<16xi1>
      %masked_sort3A_209, %masked_sort3A_210, %masked_sort3A_211 = tpu.sort %select_n3A_198, %select_n3A_207 masked %masked_sort3A_208 {descending = true} : (vector<16xf32>, vector<16xi32>, vector<16xi1>) -> (vector<16xi1>, vector<16xf32>, vector<16xi32>)
      %lt3A_212 = arith.constant 8 : i32
      %lt3A_213 = vector.broadcast %lt3A_212 : i32 to vector<16xi32>
      %lt3A_214 = arith.cmpi slt, %iota3A, %lt3A_213 : vector<16xi32>
      %rev3A_215 = arith.constant 15 : i32
      %rev3A_216 = vector.broadcast %rev3A_215 : i32 to vector<16xi32>
      %rev3A_217 = tpu.iota {dimensions = array<i32: 0>} : vector<16xi32>
      %rev3A_218 = arith.subi %rev3A_216, %rev3A_217 : vector<16xi32>
      %rev3A_219 = tpu.dynamic_gather %masked_sort3A_188[%rev3A_218] in [0] : vector<16xf32>, vector<16xi32> -> vector<16xf32>
      %select_n3A_220 = arith.select %lt3A_214, %masked_sort3A_177, %rev3A_219 : vector<16xi1>, vector<16xf32>
      %lt3A_221 = arith.constant 8 : i32
      %lt3A_222 = vector.broadcast %lt3A_221 : i32 to vector<16xi32>
      %lt3A_223 = arith.cmpi slt, %iota3A, %lt3A_222 : vector<16xi32>
      %rev3A_224 = arith.constant 15 : i32
      %rev3A_225 = vector.broadcast %rev3A_224 : i32 to vector<16xi32>
      %rev3A_226 = tpu.iota {dimensions = array<i32: 0>} : vector<16xi32>
      %rev3A_227 = arith.subi %rev3A_225, %rev3A_226 : vector<16xi32>
      %rev3A_228 = tpu.dynamic_gather %masked_sort3A_189[%rev3A_227] in [0] : vector<16xi32>, vector<16xi32> -> vector<16xi32>
      %select_n3A_229 = arith.select %lt3A_223, %masked_sort3A_178, %rev3A_228 : vector<16xi1>, vector<16xi32>
      %masked_sort3A_230 = arith.constant dense<true> : vector<16xi1>
      %masked_sort3A_231, %masked_sort3A_232, %masked_sort3A_233 = tpu.sort %select_n3A_220, %select_n3A_229 masked %masked_sort3A_230 {descending = true} : (vector<16xf32>, vector<16xi32>, vector<16xi1>) -> (vector<16xi1>, vector<16xf32>, vector<16xi32>)
      %lt3A_234 = arith.constant 8 : i32
      %lt3A_235 = vector.broadcast %lt3A_234 : i32 to vector<16xi32>
      %lt3A_236 = arith.cmpi slt, %iota3A, %lt3A_235 : vector<16xi32>
      %rev3A_237 = arith.constant 15 : i32
      %rev3A_238 = vector.broadcast %rev3A_237 : i32 to vector<16xi32>
      %rev3A_239 = tpu.iota {dimensions = array<i32: 0>} : vector<16xi32>
      %rev3A_240 = arith.subi %rev3A_238, %rev3A_239 : vector<16xi32>
      %rev3A_241 = tpu.dynamic_gather %masked_sort3A_232[%rev3A_240] in [0] : vector<16xf32>, vector<16xi32> -> vector<16xf32>
      %select_n3A_242 = arith.select %lt3A_236, %masked_sort3A_210, %rev3A_241 : vector<16xi1>, vector<16xf32>
      %lt3A_243 = arith.constant 8 : i32
      %lt3A_244 = vector.broadcast %lt3A_243 : i32 to vector<16xi32>
      %lt3A_245 = arith.cmpi slt, %iota3A, %lt3A_244 : vector<16xi32>
      %rev3A_246 = arith.constant 15 : i32
      %rev3A_247 = vector.broadcast %rev3A_246 : i32 to vector<16xi32>
      %rev3A_248 = tpu.iota {dimensions = array<i32: 0>} : vector<16xi32>
      %rev3A_249 = arith.subi %rev3A_247, %rev3A_248 : vector<16xi32>
      %rev3A_250 = tpu.dynamic_gather %masked_sort3A_233[%rev3A_249] in [0] : vector<16xi32>, vector<16xi32> -> vector<16xi32>
      %select_n3A_251 = arith.select %lt3A_245, %masked_sort3A_211, %rev3A_250 : vector<16xi1>, vector<16xi32>
      %masked_sort3A_252 = arith.constant dense<true> : vector<16xi1>
      %masked_sort3A_253, %masked_sort3A_254, %masked_sort3A_255 = tpu.sort %select_n3A_242, %select_n3A_251 masked %masked_sort3A_252 {descending = true} : (vector<16xf32>, vector<16xi32>, vector<16xi1>) -> (vector<16xi1>, vector<16xf32>, vector<16xi32>)
      %jit3A_256 = arith.constant 0.000000e+00 : f32
      %broadcast_in_dim3A_257 = vector.broadcast %jit3A_256 : f32 to vector<16xf32>
      %select_n3A_258 = arith.select %lt3A_6, %masked_sort3A_254, %broadcast_in_dim3A_257 : vector<16xi1>, vector<16xf32>
      %reduce_sum3A_259 = arith.constant true
      %reduce_sum3A_260 = vector.broadcast %reduce_sum3A_259 : i1 to vector<16xi1>
      %reduce_sum3A_261 = tpu.scan <sum>, %select_n3A_258 masked %reduce_sum3A_260 : vector<16xf32>, vector<16xi1> -> vector<16xf32>
      %reduce_sum3A_262 = vector.extract %reduce_sum3A_261[15] : f32 from vector<16xf32>
      %add3A_263 = arith.constant 9.99999968E-21 : f32
      %add3A_264 = arith.addf %reduce_sum3A_262, %add3A_263 : f32
      %mul3A_265 = arith.constant 2.500000e+00 : f32
      %mul3A_266 = vector.broadcast %mul3A_265 : f32 to vector<16xf32>
      %mul3A_267 = arith.mulf %masked_sort3A_254, %mul3A_266 : vector<16xf32>
      %broadcast_in_dim3A_268 = vector.broadcast %add3A_264 : f32 to vector<16xf32>
      %div3A_269 = arith.divf %mul3A_267, %broadcast_in_dim3A_268 : vector<16xf32>
      %mul3A_270 = arith.constant 8 : i32
      %mul3A_271 = arith.muli %scan3A_143, %mul3A_270 : i32
      %swap3A_272 = arith.index_cast %mul3A_271 : i32 to index
      %swap3A_273 = tpu.vector_load %arg6[%swap3A_272] masked %lt3A_6 {strides = array<i32>} : memref<8208xi32, #tpu.memory_space<vmem>>, vector<16xi32>, vector<16xi1>
      tpu.vector_store %arg6[%swap3A_272], %masked_sort3A_255 masked %lt3A_6 {strides = array<i32>} : memref<8208xi32, #tpu.memory_space<vmem>>, vector<16xi32>, vector<16xi1>
      %mul3A_274 = arith.constant 8 : i32
      %mul3A_275 = arith.muli %scan3A_143, %mul3A_274 : i32
      %swap3A_276 = arith.index_cast %mul3A_275 : i32 to index
      %swap3A_277 = tpu.vector_load %arg7[%swap3A_276] masked %lt3A_6 {strides = array<i32>} : memref<8208xf32, #tpu.memory_space<vmem>>, vector<16xf32>, vector<16xi1>
      tpu.vector_store %arg7[%swap3A_276], %div3A_269 masked %lt3A_6 {strides = array<i32>} : memref<8208xf32, #tpu.memory_space<vmem>>, vector<16xf32>, vector<16xi1>
    }
    %scan3A_11 = arith.constant 1024 : i32
    %mul3A_12 = arith.constant 8 : i32
    %mul3A_13 = arith.muli %mul3A_2, %mul3A_12 : i32
    "tpu.region"() ({
      %run_scoped3A = tpu.sem_alloc : memref<!tpu.dma_semaphore, #tpu.memory_space<semaphore_mem>>
      %dma_start3A = arith.constant 0 : i32
      %dma_start3A_16 = tpu.memref_slice %arg6[%dma_start3A] : memref<8208xi32, #tpu.memory_space<vmem>> -> memref<8192xi32, #tpu.memory_space<vmem>>
      %dma_start3A_17 = tpu.memref_slice %arg3[%mul3A_13] : memref<262144xi32, #tpu.memory_space<hbm>> -> memref<8192xi32, #tpu.memory_space<hbm>>
      %dma_start3A_18 = tpu.memref_slice %arg3[%mul3A_13] : memref<262144xi32, #tpu.memory_space<hbm>> -> memref<8192xi32, #tpu.memory_space<hbm>>
      %dma_start3A_19 = arith.constant 0 : i32
      %dma_start3A_20 = tpu.memref_slice %arg6[%dma_start3A_19] : memref<8208xi32, #tpu.memory_space<vmem>> -> memref<8192xi32, #tpu.memory_space<vmem>>
      tpu.enqueue_dma source(%dma_start3A_20 : memref<8192xi32, #tpu.memory_space<vmem>>) target(%dma_start3A_18 : memref<8192xi32, #tpu.memory_space<hbm>>) target_semaphore(%run_scoped3A : memref<!tpu.dma_semaphore, #tpu.memory_space<semaphore_mem>>)
      %dma_wait3A = arith.constant 0 : i32
      %dma_wait3A_21 = tpu.memref_slice %arg6[%dma_wait3A] : memref<8208xi32, #tpu.memory_space<vmem>> -> memref<8192xi32, #tpu.memory_space<vmem>>
      %dma_wait3A_22 = tpu.memref_slice %arg3[%mul3A_13] : memref<262144xi32, #tpu.memory_space<hbm>> -> memref<8192xi32, #tpu.memory_space<hbm>>
      %dma_wait3A_23 = tpu.memref_slice %arg3[%mul3A_13] : memref<262144xi32, #tpu.memory_space<hbm>> -> memref<8192xi32, #tpu.memory_space<hbm>>
      %dma_wait3A_24 = arith.constant 0 : i32
      %dma_wait3A_25 = tpu.memref_slice %arg6[%dma_wait3A_24] : memref<8208xi32, #tpu.memory_space<vmem>> -> memref<8192xi32, #tpu.memory_space<vmem>>
      tpu.wait_dma2 semaphore(%run_scoped3A : memref<!tpu.dma_semaphore, #tpu.memory_space<semaphore_mem>>) src(%dma_wait3A_25 : memref<8192xi32, #tpu.memory_space<vmem>>) dst(%dma_wait3A_23 : memref<8192xi32, #tpu.memory_space<hbm>>)
      tpu.yield
    }) : () -> ()
    %mul3A_14 = arith.constant 8 : i32
    %mul3A_15 = arith.muli %mul3A_2, %mul3A_14 : i32
    "tpu.region"() ({
      %run_scoped3A = tpu.sem_alloc : memref<!tpu.dma_semaphore, #tpu.memory_space<semaphore_mem>>
      %dma_start3A = arith.constant 0 : i32
      %dma_start3A_16 = tpu.memref_slice %arg7[%dma_start3A] : memref<8208xf32, #tpu.memory_space<vmem>> -> memref<8192xf32, #tpu.memory_space<vmem>>
      %dma_start3A_17 = tpu.memref_slice %arg4[%mul3A_15] : memref<262144xf32, #tpu.memory_space<hbm>> -> memref<8192xf32, #tpu.memory_space<hbm>>
      %dma_start3A_18 = tpu.memref_slice %arg4[%mul3A_15] : memref<262144xf32, #tpu.memory_space<hbm>> -> memref<8192xf32, #tpu.memory_space<hbm>>
      %dma_start3A_19 = arith.constant 0 : i32
      %dma_start3A_20 = tpu.memref_slice %arg7[%dma_start3A_19] : memref<8208xf32, #tpu.memory_space<vmem>> -> memref<8192xf32, #tpu.memory_space<vmem>>
      tpu.enqueue_dma source(%dma_start3A_20 : memref<8192xf32, #tpu.memory_space<vmem>>) target(%dma_start3A_18 : memref<8192xf32, #tpu.memory_space<hbm>>) target_semaphore(%run_scoped3A : memref<!tpu.dma_semaphore, #tpu.memory_space<semaphore_mem>>)
      %dma_wait3A = arith.constant 0 : i32
      %dma_wait3A_21 = tpu.memref_slice %arg7[%dma_wait3A] : memref<8208xf32, #tpu.memory_space<vmem>> -> memref<8192xf32, #tpu.memory_space<vmem>>
      %dma_wait3A_22 = tpu.memref_slice %arg4[%mul3A_15] : memref<262144xf32, #tpu.memory_space<hbm>> -> memref<8192xf32, #tpu.memory_space<hbm>>
      %dma_wait3A_23 = tpu.memref_slice %arg4[%mul3A_15] : memref<262144xf32, #tpu.memory_space<hbm>> -> memref<8192xf32, #tpu.memory_space<hbm>>
      %dma_wait3A_24 = arith.constant 0 : i32
      %dma_wait3A_25 = tpu.memref_slice %arg7[%dma_wait3A_24] : memref<8208xf32, #tpu.memory_space<vmem>> -> memref<8192xf32, #tpu.memory_space<vmem>>
      tpu.wait_dma2 semaphore(%run_scoped3A : memref<!tpu.dma_semaphore, #tpu.memory_space<semaphore_mem>>) src(%dma_wait3A_25 : memref<8192xf32, #tpu.memory_space<vmem>>) dst(%dma_wait3A_23 : memref<8192xf32, #tpu.memory_space<hbm>>)
      tpu.yield
    }) : () -> ()
    return
  }
}

module attributes {stable_mosaic.version = 14 : i64} {
  func.func @_score_kernel(%arg0: i32, %arg1: memref<4096x768xf32, #tpu.memory_space<vmem>>, %arg2: memref<768x64xf32, #tpu.memory_space<vmem>>, %arg3: memref<1x64xf32, #tpu.memory_space<vmem>>, %arg4: memref<4096x64xf32, #tpu.memory_space<vmem>>) attributes {dimension_semantics = [#tpu.dimension_semantics<arbitrary>], iteration_bounds = array<i64: 8>, scalar_prefetch = 0 : i64, scratch_operands = 0 : i64, tpu.core_type = #tpu.core_type<tc>, window_params = [{transform_indices = @transform_0, window_bounds = array<i64: 4096, 768>}, {pipeline_mode = #tpu.pipeline_mode<synchronous>, transform_indices = @transform_1, window_bounds = array<i64: 768, 64>}, {pipeline_mode = #tpu.pipeline_mode<synchronous>, transform_indices = @transform_2, window_bounds = array<i64: 1, 64>}, {transform_indices = @transform_3, window_bounds = array<i64: 4096, 64>}]} {
    %get3A = arith.constant 0 : index
    %get3A_0 = arith.constant 0 : index
    %get3A_1 = vector.load %arg1[%get3A, %get3A_0] : memref<4096x768xf32, #tpu.memory_space<vmem>>, vector<4096x768xf32>
    %get3A_2 = arith.constant 0 : index
    %get3A_3 = arith.constant 0 : index
    %get3A_4 = vector.load %arg2[%get3A_2, %get3A_3] : memref<768x64xf32, #tpu.memory_space<vmem>>, vector<768x64xf32>
    %dot_general3A = arith.constant dense<0.000000e+00> : vector<4096x64xf32>
    %dot_general3A_5 = tpu.matmul %get3A_1, %get3A_4, %dot_general3A {dimension_numbers = #tpu.dot_dimension_numbers<[1], [0], [0], [1], [0, 0, 1, 1], [], []>, transpose_lhs_hint = false} : vector<4096x768xf32>, vector<768x64xf32>, vector<4096x64xf32> -> vector<4096x64xf32>
    %logistic3A = arith.negf %dot_general3A_5 : vector<4096x64xf32>
    %logistic3A_6 = math.exp %logistic3A : vector<4096x64xf32>
    %logistic3A_7 = arith.constant 1.000000e+00 : f32
    %logistic3A_8 = vector.broadcast %logistic3A_7 : f32 to vector<4096x64xf32>
    %logistic3A_9 = arith.addf %logistic3A_8, %logistic3A_6 : vector<4096x64xf32>
    %logistic3A_10 = arith.divf %logistic3A_8, %logistic3A_9 : vector<4096x64xf32>
    %get3A_11 = arith.constant 0 : index
    %get3A_12 = arith.constant 0 : index
    %get3A_13 = vector.load %arg3[%get3A_11, %get3A_12] : memref<1x64xf32, #tpu.memory_space<vmem>>, vector<1x64xf32>
    %add3A = vector.broadcast %get3A_13 : vector<1x64xf32> to vector<4096x64xf32>
    %add3A_14 = arith.addf %logistic3A_10, %add3A : vector<4096x64xf32>
    %swap3A = arith.constant 0 : index
    %swap3A_15 = arith.constant 0 : index
    %swap3A_16 = vector.load %arg4[%swap3A, %swap3A_15] : memref<4096x64xf32, #tpu.memory_space<vmem>>, vector<4096x64xf32>
    tpu.vector_store %arg4[%swap3A, %swap3A_15], %add3A_14 {strides = array<i32>} : memref<4096x64xf32, #tpu.memory_space<vmem>>, vector<4096x64xf32>,
    return
  }
  func.func @transform_0(%arg0: i32) -> (i32, i32) {
    %c0_i32 = arith.constant 0 : i32
    %c0_i32_0 = arith.constant 0 : i32
    return %arg0, %c0_i32 : i32, i32
  }
  func.func @transform_1(%arg0: i32) -> (i32, i32) {
    %c0_i32 = arith.constant 0 : i32
    %c0_i32_0 = arith.constant 0 : i32
    %c0_i32_1 = arith.constant 0 : i32
    return %c0_i32, %c0_i32_0 : i32, i32
  }
  func.func @transform_2(%arg0: i32) -> (i32, i32) {
    %c0_i32 = arith.constant 0 : i32
    %c0_i32_0 = arith.constant 0 : i32
    %c0_i32_1 = arith.constant 0 : i32
    return %c0_i32, %c0_i32_0 : i32, i32
  }
  func.func @transform_3(%arg0: i32) -> (i32, i32) {
    %c0_i32 = arith.constant 0 : i32
    %c0_i32_0 = arith.constant 0 : i32
    return %arg0, %c0_i32 : i32, i32
  }
}

</mosaic_0001>

<sc_bundles>
// kernel: kernel.4.cloned.1.call-start
scs
__scs_entry_jumppad:
0x0: {  	(pc) =	sbr.rel $0x88, $3  }
0x1: {  	(tag) =	ssettag $0x0;
	lr =	simm.s32 $0x1  }
0x2: {  	[smem:$0x3F9E] =	sst lr;
	_ =	strace $0xD0000000  }
0x3: {  	_ = 	snop  }
0x4: {  	_ = 	snop  }
0x5: {  	_ = 	snop  }
0x6: {  	_ = 	snop  }
0x7: {  	_ = 	snop  }
__scs_overlays_trampoline_lowered:
0x8: {  	[smem:$0x3FAD] =	sst s0  }
0x9: {  	[smem:$0x3FAE] =	sst s1  }
0xa: {  	[smem:$0x3FAF] =	sst s2  }
0xb: {  	[smem:$0x3FB0] =	sst s3  }
0xc: {  	[smem:$0x3FB1] =	sst s4  }
0xd: {  	[smem:$0x3FB2] =	sst s5  }
0xe: {  	[smem:$0x3FB3] =	sst s6  }
0xf: {  	[smem:$0x3FB4] =	sst s7  }
0x10: {  	[smem:$0x3FB5] =	sst s8  }
0x11: {  	[smem:$0x3FB6] =	sst s9;
	s0 =	simm.s32 @!p0 $0x0  }
0x12: {  	s1 =	sld [smem:$0x3F9C];
	s0 =	simm.s32 @p0 $0x1  }
0x13: {  	[smem:$0x3FB7] =	sst s0;
	s0 =	simm.s32 @!p1 $0x0  }
0x14: {  	s2 =	sld [smem:$0x3F9B];
	s0 =	simm.s32 @p1 $0x1  }
0x15: {  	[smem:$0x3FB8] =	sst s0;
	s0 =	simm.s32 @!p2 $0x0  }
0x16: {  	s3 =	sld [smem:$0x3FDB];
	s0 =	simm.s32 @p2 $0x1  }
0x17: {  	s4 =	simm.s32 $0x1BF5;
	[smem:$0x3FBA] =	sst s0  }
0x18: {  	s0 =	sld [smem:$0x3F9D];
	_ =	swait.ge [sflag:s4], $0x0  }
0x19: {  	s7 =	sld [smem:$0x3F9E]  }
0x1a: {  	s8 =	sadd.s32 $0xFFFFE003, lr  }
0x1b: {  	s9 =	sadd.s32 $0xFFFFFEF7, lr;
	s5 =	simm.s32 $0xFFFFFFFF;
	p2 =	slt.u32 s8, $0xFFFFF086  }
0x1c: {  	p1 =	slt.u32 s9, $0xF7A;
	s5 =	simm.s32 @!p2 $0x0  }
0x1d: {  	s5 =	simm.s32 @p1 $0x1;
	p0 =	seq.s32 s7, s2  }
0x1e: {  	s7 =	smul.u32 @!p0 $0xF7A, s2;
	p2 =	seq.s32 @!p0 s5, $0x0  }
0x1f: {  	s9 =	smul.u32 $0xF7A, s1;
	s8 =	simm.s32 @!p0 $0x1BF5;
	p2 =	por !p2, p0  }
0x20: {  	[sflag:s8] =	ssyncset.s32 @!p0 $0xFFFFF086;
	s6 =	sadd.s32 @!p0 s3, s7;
	s7 =	simm.s32 @!p0 $0x108  }
0x21: {  	s3 =	sadd.s32 s3, s9;
	s6 =	sadd.s32 @!p0 $0x88, s6;
	s7 =	simm.s32 @p2 $0x1082  }
0x22: {  	[simem:s7], [sflag:s8] =	dma.local @!p0 [hbm:s6], $0xF7A  }
0x23: {  	s9 =	sor.u32 $0xD0000000, s2;
	s6 =	simm.s32 $0x108;
	_ =	swait.ge @!p0 [sflag:s8], $0x0  }
0x24: {  	s3 =	sadd.s32 $0x88, s3;
	s6 =	simm.s32 @!p1 $0x1082;
	[sflag:s4] =	ssyncset.s32 $0xFFFFF086  }
0x25: {  	[simem:s6], [sflag:s4] =	dma.local [hbm:s3], $0xF7A  }
0x26: {  	[smem:$0x3F9E] =	sst s1;
	(tag) =	ssettag s2;
	_ =	strace s9  }
0x27: {  	s1 =	sld [smem:$0x3FAE]  }
0x28: {  	s2 =	sld [smem:$0x3FAF]  }
0x29: {  	s4 =	sld [smem:$0x3FB1]  }
0x2a: {  	p0 =	seq.s32 s5, $0x0;
	s5 =	sld [smem:$0x3FB2]  }
0x2b: {  	s6 =	sld [smem:$0x3FB3]  }
0x2c: {  	s7 =	sld [smem:$0x3FB4]  }
0x2d: {  	s3 =	simm.s32 $0x108;
	s8 =	sld [smem:$0x3FB5]  }
0x2e: {  	s3 =	simm.s32 @!p0 $0x1082;
	s9 =	sld [smem:$0x3FB6]  }
0x2f: {  	lr =	sadd.s32 s0, s3;
	s0 =	sld [smem:$0x3FAD]  }
0x30: {  	s3 =	sld [smem:$0x3FB0]  }
0x31: {  	[smem:$0x3FB9] =	sst s10  }
0x32: {  	s10 =	sld [smem:$0x3FB7];
	_ =	sdelay $0x3  }
0x33: {  	p0 =	seq.s32 s10, $0x1;
	s10 =	sld [smem:$0x3FB9];
	_ =	sdelay $0x3  }
0x34: {  	[smem:$0x3FB9] =	sst s10  }
0x35: {  	s10 =	sld [smem:$0x3FB8];
	_ =	sdelay $0x3  }
0x36: {  	p1 =	seq.s32 s10, $0x1;
	s10 =	sld [smem:$0x3FB9];
	_ =	sdelay $0x3  }
0x37: {  	[smem:$0x3FB9] =	sst s10  }
0x38: {  	s10 =	sld [smem:$0x3FBA]  }
0x39: {  	_ = 	snop;
	(pc) =	sbr.ind lr, $3  }
0x3a: {  	_ = 	snop  }
0x3b: {  	_ = 	snop  }
0x3c: {  	p2 =	seq.s32 s10, $0x1;
	s10 =	sld [smem:$0x3FB9]  }
0x3d: {  	_ =	shalt  }
0x3e: {  	_ =	shalt  }
0x3f: {  	_ =	shalt  }
0x40: {  	_ =	shalt  }
0x41: {  	_ =	shalt  }
0x42: {  	_ =	shalt  }
0x43: {  	_ =	shalt  }
0x44: {  	_ =	shalt  }
0x45: {  	_ =	shalt  }
0x46: {  	_ =	shalt  }
0x47: {  	_ =	shalt  }
0x48: {  	_ =	shalt  }
0x49: {  	_ =	shalt  }
0x4a: {  	_ =	shalt  }
0x4b: {  	_ =	shalt  }
0x4c: {  	_ =	shalt  }
0x4d: {  	_ =	shalt  }
0x4e: {  	_ =	shalt  }
0x4f: {  	_ =	shalt  }
0x50: {  	_ =	shalt  }
0x51: {  	_ =	shalt  }
0x52: {  	_ =	shalt  }
0x53: {  	_ =	shalt  }
0x54: {  	_ =	shalt  }
0x55: {  	_ =	shalt  }
0x56: {  	_ =	shalt  }
0x57: {  	_ =	shalt  }
0x58: {  	_ =	shalt  }
0x59: {  	_ =	shalt  }
0x5a: {  	_ =	shalt  }
0x5b: {  	_ =	shalt  }
0x5c: {  	_ =	shalt  }
0x5d: {  	_ =	shalt  }
0x5e: {  	_ =	shalt  }
0x5f: {  	_ =	shalt  }
0x60: {  	_ =	shalt  }
0x61: {  	_ =	shalt  }
0x62: {  	_ =	shalt  }
0x63: {  	_ =	shalt  }
0x64: {  	_ =	shalt  }
0x65: {  	_ =	shalt  }
0x66: {  	_ =	shalt  }
0x67: {  	_ =	shalt  }
0x68: {  	_ =	shalt  }
0x69: {  	_ =	shalt  }
0x6a: {  	_ =	shalt  }
0x6b: {  	_ =	shalt  }
0x6c: {  	_ =	shalt  }
0x6d: {  	_ =	shalt  }
0x6e: {  	_ =	shalt  }
0x6f: {  	_ =	shalt  }
0x70: {  	_ =	shalt  }
0x71: {  	_ =	shalt  }
0x72: {  	_ =	shalt  }
0x73: {  	_ =	shalt  }
0x74: {  	_ =	shalt  }
0x75: {  	_ =	shalt  }
0x76: {  	_ =	shalt  }
0x77: {  	_ =	shalt  }
0x78: {  	_ =	shalt  }
0x79: {  	_ =	shalt  }
0x7a: {  	_ =	shalt  }
0x7b: {  	_ =	shalt  }
0x7c: {  	_ =	shalt  }
0x7d: {  	_ =	shalt  }
0x7e: {  	_ =	shalt  }
0x7f: {  	_ =	shalt  }
0x80: {  	_ =	shalt  }
0x81: {  	_ =	shalt  }
0x82: {  	_ =	shalt  }
0x83: {  	_ =	shalt  }
0x84: {  	_ =	shalt  }
0x85: {  	_ =	shalt  }
0x86: {  	_ =	shalt  }
0x87: {  	_ =	shalt  }
.Lfunc_end0:
.L_simem_size_0:
called_computation_lowered:
.L_overlay_start_0:
0x88: {  	s2 =	sld [smem:$0x3FD9]  }
0x89: {  	s3 =	sld [smem:$0x3FFE];
	_ =	sdelay $0x1  }
0x8a: {  	s1 =	srdreg.scid  }
0x8b: {  	s0 =	sand.u32 $0x1, s1  }
0x8c: {  	s14 =	sshll.u32 s0, $0xA;
	s2 =	sadd.s32 s3, s2  }
0x8d: {  	s2 =	sadd.s32 s2, s14  }
0x8e: {  	[smem:$0x3FC5] =	sst s2  }
0x8f: {  	_ = 	snop  }
0x90: {  	s2 =	sld [smem:$0x3FD0];
	_ =	sdelay $0x2  }
0x91: {  	s15 =	simm.s32 $0xA;
	s4 =	simm.s32 $0x10  }
0x92: {  	[smem:s4], [sflag:s15] =	dma.local [hbm:s2], $0x1  }
0x93: {  	_ =	swait.eq [sflag:s15], $0x1  }
0x94: {  	[sflag:s15] =	ssyncset.done $0x0  }
0x95: {  	[sflag:s15] =	ssyncadd.s32 $0xFFFFFFFF  }
0x96: {  	s16 =	sld [smem:$0x11];
	(tm) =	ssettm $0x1  }
0x97: {  	s17 =	sld [smem:$0x3FFB];
	_ =	sdelay $0x3  }
0x98: {  	_ =	strace s17  }
0x99: {  	s3 =	sld [smem:$0x3FFC];
	_ =	sdelay $0x3  }
0x9a: {  	_ =	strace s3  }
0x9b: {  	s3 =	sld [smem:$0x3FFD];
	_ =	sdelay $0x3  }
0x9c: {  	_ =	strace s3  }
0x9d: {  	_ =	strace $0x8FFFFFFF  }
0x9e: {  	s18 =	sld [smem:$0x3FDB];
	_ =	sdelay $0x1  }
0x9f: {  	s19 =	simm.s32 $_scs_section_size  }
0xa0: {  	s5 =	simm.s32 $_size__tile_overlayer_lowered;
	s6 =	simm.s32 $_tile_overlayer_lowered  }
0xa1: {  	s22 =	simm.s32 $0x1BFF;
	s21 =	sshll.u32 s6, $0x1;
	s3 =	sadd.s32 s19, s18  }
0xa2: {  	s7 =	simm.s32 $0x0;
	s20 =	sshll.u32 s5, $0x1;
	s5 =	sadd.s32 s21, s3  }
0xa3: {  	[timem:s7], [sflag:s22] =	dma.local [hbm:s5], s20  }
0xa4: {  	_ =	swait.ge [sflag:s22], s20  }
0xa5: {  	s4 =	ssub.s32 $0x0, s20;
	[sflag:s22] =	ssyncset.done $0x0  }
0xa6: {  	[sflag:s22] =	ssyncadd.s32 s4;
	_ =	sdelay $0x1  }
0xa7: {  	s23 =	simm.s32 $0x1B8B  }
0xa8: {  	_ =	swait.ge [sflag:s23], $0x1  }
0xa9: {  	[sflag:s23] =	ssyncset.done $0x0  }
0xaa: {  	s25 =	simm.s32 $0x1B8E;
	s24 =	sld [smem:$0x3FFE];
	[sflag:s23] =	ssyncadd.s32 $0xFFFFFFFF  }
0xab: {  	s26 =	simm.s32 $execute0_lowered;
	[smem:$0x3FD2] =	sst s25  }
0xac: {  	s5 =	sshll.u32 s26, $0x1;
	_ =	strace $0x80000046;
	[dreg:$0x1] =	wrdreg $0xFFFFFFFF  }
0xad: {  	s28 =	simm.s32 $_size_execute0_lowered;
	s3 =	sadd.s32 s3, s5;
	[dreg:$0x0] =	wrdreg $0x0  }
0xae: {  	s5 =	sshll.u32 s28, $0x1;
	[dreg:$0x2] =	wrdreg s3  }
0xaf: {  	[dreg:$0x3] =	wrdreg s5  }
0xb0: {  	[dreg:$0x4] =	wrdreg $0xC0  }
0xb1: {  	_ =	task [dreg:s7], $0x5FFFF  }
0xb2: {  	[dreg:$0x1] =	wrdreg $0xFFFFFFFF  }
0xb3: {  	[dreg:$0x0] =	wrdreg $0x60  }
0xb4: {  	[dreg:$0x2] =	wrdreg s24  }
0xb5: {  	[dreg:$0x3] =	wrdreg s16  }
0xb6: {  	[dreg:$0x4] =	wrdreg $0x9  }
0xb7: {  	_ =	task.clear_ibuf [dreg:s7], $0x5FFFF;
	_ =	strace $0x90000046  }
0xb8: {  	s29 =	simm.s32 $0x9;
	_ =	strace $0x80000048  }
0xb9: {  	_ =	swait.ge [sflag:s29], $0x1  }
0xba: {  	[sflag:s29] =	ssyncadd.s32 $0xFFFFFFFF  }
0xbb: {  	_ =	strace $0x90000048  }
0xbc: {  	_ =	sfence  }
0xbd: {  	s30 =	sld [smem:$0x0];
	_ =	sdelay $0x2  }
0xbe: {  	s31 =	sshll.u32 s1, $0xD;
	s1 =	sshrl.u32 s1, $0x2  }
0xbf: {  	s3 =	sand.u32 $0x4000, s31;
	s1 =	sadd.s32 s1, s30  }
0xc0: {  	s0 =	sor.u32 s3, s0;
	s1 =	sshll.u32 s1, $0x11  }
0xc1: {  	s0 =	sor.u32 s1, s0  }
0xc2: {  	s0 =	sadd.s32 $0x8F2B, s0  }
0xc3: {  	[sflag:s0] =	ssyncadd.remote.s32 $0x1  }
0xc4: {  	_ =	sfence.sel $0xFFFF  }
0xc5: {  	[dreg:$0x0] =	wrdreg $0xFFFFFFFF;
	(pc) =	sbr.abs _section_cstart, $3  }
0xc6: {  	[dreg:$0x1] =	wrdreg $0xFFFFFFFF  }
0xc7: {  	_ =	task.clear_ibuf [dreg:s7], $0x2FFFF;
	_ =	strace $0x9FFFFFFF  }
0xc8: {  	(tm) =	ssettm $0x7FFFFFFF  }
0xc9: {  	_ =	shalt  }
tec
execute0_lowered:
.L_overlay_start_1:
0x0: {  	(tag) =	ssettag $0x1  }
0x1: {  	s3 =	rddreg [dreg:$0x0]  }
0x2: {  	s4 =	rddreg [dreg:$0x1]  }
0x3: {  	s0 =	rddreg [dreg:$0x2]  }
0x4: {  	s5 =	srdreg.scid;
	s1 =	stileid.u32  }
0x5: {  	s2 =	simm.s32 $0x0;
	s5 =	sand.u32 $0x1, s5;
	s6 =	sshll.u32 s1, $0x1  }
0x6: {  	s10 =	simm.s32 $0x0;
	[smem:$0x7FF] =	sst s2;
	s6 =	sor.u32 s5, s6  }
0x7: {  	_ =	strace $0x80000047;
	s5 =	ssub.s32 $0x2, s5;
	s7 =	sshll.u32 s6, $0xD  }
0x8: {  	v0 =	vlaneseq.u32;
	s6 =	sshll.u32 s6, $0xA;
	s31 =	sshrl.u32 s5, $0x1;
	s7 =	sadd.s32 s7, s3  }
0x9: {  	v4 =	vmul.u32 $0xFFFFFFFF, v0;
	s8 =	sadd.s32 s6, s3;
	s9 =	ssub.s32 s5, s31;
	s4 =	sadd.s32 s4, s6  }
0xa: {  	vm0 =	vmmov $0xff;
	v1 =	vor.u32 $0x10, v0;
	s3 =	sadd.s32 $0xC00, s7;
	s5 =	sadd.s32 $0x40C00, s8;
	s6 =	smax.u32 s9, $0x1  }
0xb: {  	v2 =	vor.u32 $0x20, v0;
	v3 =	vor.u32 $0x30, v0;
	v4 =	vadd.s32 $0xF, v4;
	s7 =	simm.s32 $0x1;
	s8 =	simm.s32 $0x10000;
	s9 =	simm.s32 $0x12080  }
.LBB2_1:
0xc: {  	[tilespmem:s2], [sflag:$0x1] =	stream.linear.gather [hbm4b:s3+s2], $0x10000, $0x38;
	[tilespmem:$0x14100] =	vst v63  }
0xd: {  	_ =	swait.ge [sflag:s7], $0x10000  }
0xe: {  	[sflag:s7] =	ssyncset.done $0x0  }
0xf: {  	s14 =	simm.s32 $0x20;
	[sflag:s7] =	ssyncadd.s32 $0xFFFF0000  }
0x10: {  	v5 =	vld [tilespmem:s14+$0x10]  }
0x11: {  	v6 =	vld [tilespmem:s14+$0xFFFFFFF0]  }
0x12: {  	v7 =	vld [tilespmem:s14+$0x0];
	_ =	sdelay $0x1  }
0x13: {  	v8 =	vld [tilespmem:s14+$0xFFFFFFE0]  }
0x14: {  	(xrf1) =	vsort.dscd.msk.f32 $0xffff, v5, v3  }
0x15: {  	(xrf1) =	vsort.dscd.msk.f32 $0xffff, v6, v1  }
0x16: {  	(xrf1) =	vsort.dscd.msk.f32 $0xffff, v7, v2;
	_ =	sdelay $0x1  }
0x17: {  	(xrf1) =	vsort.dscd.msk.f32 $0xffff, v8, v0;
	_ =	sdelay $0x9  }
0x18: {  	v5, v6, _ =	vpop (xrf1)  }
0x19: {  	v5 =	vperm.xlane v5, v4;
	v6 =	vperm.xlane v6, v4;
	v7, v53, _ =	vpop (xrf1)  }
0x1a: {  	v7 =	vperm.xlane v7, v4;
	v9, v10, _ =	vpop (xrf1)  }
0x1b: {  	v8 =	vperm.xlane v53, v4;
	v5 =	vsel vm0, v9, v5;
	v6 =	vsel vm0, v10, v6  }
0x1c: {  	v54, v55, _ =	vpop (xrf1);
	(xrf1) =	vsort.dscd.msk.f32 $0xffff, v5, v6  }
0x1d: {  	v5 =	vsel vm0, v54, v7;
	v6 =	vsel vm0, v55, v8  }
0x1e: {  	(xrf1) =	vsort.dscd.msk.f32 $0xffff, v5, v6;
	_ =	sdelay $0xb  }
0x1f: {  	v5, v6, _ =	vpop (xrf1)  }
0x20: {  	v5 =	vperm.xlane v5, v4;
	v6 =	vperm.xlane v6, v4  }
0x21: {  	v7, v56, _ =	vpop (xrf1)  }
0x22: {  	v5 =	vsel vm0, v7, v5;
	v6 =	vsel vm0, v56, v6  }
0x23: {  	(xrf1) =	vsort.dscd.msk.f32 $0xffff, v5, v6;
	_ =	sdelay $0xd  }
0x24: {  	v5, v6, _ =	vpop (xrf1)  }
0x25: {  	v7 =	vnsel vm0, $0x0, v5  }
0x26: {  	(xrf2) =	vadd.scan.msk.f32 $0xffff, v7;
	_ =	sdelay $0x9  }
0x27: {  	v7, _, _ =	vpop (xrf2)  }
0x28: {  	(v2sf) =	vpush v7, $0xF;
	_ =	sdelay $0xe  }
0x29: {  	s11 =	spop (v2sf)  }
0x2a: {  	s11 =	sadd.f32 $9.999999680e-21, s11;
	_ =	sdelay $0x1  }
0x2b: {  	v7 =	vmov s11  }
0x2c: {  	(erf) = vrcp.f32 v7;
	_ =	sdelay $0x7  }
0x2d: {  	v5 =	vmul.f32 $2.500000000e+00, v5  }
0x2e: {  	v7 =	vpop (erf)  }
0x2f: {  	s11 =	simm.s32 $0x10008;
	v5 =	vmul.f32 v7, v5  }
0x30: {  	s12 =	simm.s32 $0x12088;
	s13 =	simm.s32 $0x40;
	[tilespmem:s11+$0xFFFFFFF8] =	vst.msk $0xff, v6  }
0x31: {  	s15 =	sor.u32 $0x70, s13;
	[tilespmem:s12+$0xFFFFFFF8] =	vst.msk $0xff, v5  }
0x32: {  	s16 =	sor.u32 $0x50, s13;
	v5 =	vld [tilespmem:s15+$0x0]  }
0x33: {  	s30 =	sor.u32 $0x60, s13;
	v6 =	vld [tilespmem:s16+$0x0]  }
0x34: {  	v7 =	vld [tilespmem:s30+$0x0];
	_ =	sdelay $0x1  }
0x35: {  	v57 =	vld [tilespmem:s14+$0x20]  }
0x36: {  	(xrf1) =	vsort.dscd.msk.f32 $0xffff, v5, v3  }
0x37: {  	(xrf1) =	vsort.dscd.msk.f32 $0xffff, v6, v1  }
0x38: {  	(xrf1) =	vsort.dscd.msk.f32 $0xffff, v7, v2;
	_ =	sdelay $0x1  }
0x39: {  	(xrf1) =	vsort.dscd.msk.f32 $0xffff, v57, v0;
	_ =	sdelay $0x9  }
0x3a: {  	v5, v6, _ =	vpop (xrf1)  }
0x3b: {  	v5 =	vperm.xlane v5, v4;
	v6 =	vperm.xlane v6, v4;
	v7, v58, _ =	vpop (xrf1)  }
0x3c: {  	v7 =	vperm.xlane v7, v4;
	v59, v60, _ =	vpop (xrf1)  }
0x3d: {  	v8 =	vperm.xlane v58, v4;
	v5 =	vsel vm0, v59, v5;
	v6 =	vsel vm0, v60, v6  }
0x3e: {  	v61, v62, _ =	vpop (xrf1);
	(xrf1) =	vsort.dscd.msk.f32 $0xffff, v5, v6  }
0x3f: {  	v5 =	vsel vm0, v61, v7;
	v6 =	vsel vm0, v62, v8  }
0x40: {  	(xrf1) =	vsort.dscd.msk.f32 $0xffff, v5, v6;
	_ =	sdelay $0xb  }
0x41: {  	v5, v6, _ =	vpop (xrf1)  }
0x42: {  	v5 =	vperm.xlane v5, v4;
	v6 =	vperm.xlane v6, v4  }
0x43: {  	v7, v63, _ =	vpop (xrf1)  }
0x44: {  	v5 =	vsel vm0, v7, v5;
	v6 =	vsel vm0, v63, v6  }
0x45: {  	(xrf1) =	vsort.dscd.msk.f32 $0xffff, v5, v6;
	_ =	sdelay $0xd  }
0x46: {  	v5, v6, _ =	vpop (xrf1)  }
0x47: {  	v7 =	vnsel vm0, $0x0, v5  }
0x48: {  	(xrf2) =	vadd.scan.msk.f32 $0xffff, v7;
	_ =	sdelay $0x9  }
0x49: {  	v7, _, _ =	vpop (xrf2)  }
0x4a: {  	(v2sf) =	vpush v7, $0xF;
	_ =	sdelay $0xe  }
0x4b: {  	s31 =	spop (v2sf)  }
0x4c: {  	s14 =	sadd.f32 $9.999999680e-21, s31;
	_ =	sdelay $0x1  }
0x4d: {  	v7 =	vmov s14  }
0x4e: {  	(erf) = vrcp.f32 v7;
	_ =	sdelay $0x7  }
0x4f: {  	v5 =	vmul.f32 $2.500000000e+00, v5  }
0x50: {  	v7 =	vpop (erf)  }
0x51: {  	v5 =	vmul.f32 v7, v5  }
0x52: {  	[tilespmem:s11+$0x0] =	vst.msk $0xff, v6  }
0x53: {  	s15 =	simm.s32 $0xA0;
	s14 =	simm.s32 $0x0;
	[tilespmem:s12+$0x0] =	vst.msk $0xff, v5  }
.LBB2_2:
0x54: {  	v5 =	vld [tilespmem:s15+$0x10];
	s14 =	sadd.s32 $0x2, s14  }
0x55: {  	v6 =	vld [tilespmem:s15+$0xFFFFFFF0];
	p0 =	slt.u32 s14, $0x3FE  }
0x56: {  	v7 =	vld [tilespmem:s15+$0x0]  }
0x57: {  	v8 =	vld [tilespmem:s15+$0xFFFFFFE0];
	_ =	sdelay $0x1  }
0x58: {  	(xrf1) =	vsort.dscd.msk.f32 $0xffff, v5, v3  }
0x59: {  	(xrf1) =	vsort.dscd.msk.f32 $0xffff, v6, v1  }
0x5a: {  	(xrf1) =	vsort.dscd.msk.f32 $0xffff, v7, v2;
	_ =	sdelay $0x1  }
0x5b: {  	(xrf1) =	vsort.dscd.msk.f32 $0xffff, v8, v0;
	_ =	sdelay $0x9  }
0x5c: {  	v5, v6, _ =	vpop (xrf1)  }
0x5d: {  	v5 =	vperm.xlane v5, v4;
	v6 =	vperm.xlane v6, v4;
	v7, v8, _ =	vpop (xrf1)  }
0x5e: {  	v7 =	vperm.xlane v7, v4;
	v9, v10, _ =	vpop (xrf1)  }
0x5f: {  	v8 =	vperm.xlane v8, v4;
	v5 =	vsel vm0, v9, v5;
	v6 =	vsel vm0, v10, v6  }
0x60: {  	v9, v10, _ =	vpop (xrf1);
	(xrf1) =	vsort.dscd.msk.f32 $0xffff, v5, v6  }
0x61: {  	v5 =	vsel vm0, v9, v7;
	v6 =	vsel vm0, v10, v8  }
0x62: {  	(xrf1) =	vsort.dscd.msk.f32 $0xffff, v5, v6;
	_ =	sdelay $0xb  }
0x63: {  	v5, v6, _ =	vpop (xrf1)  }
0x64: {  	v5 =	vperm.xlane v5, v4;
	v6 =	vperm.xlane v6, v4  }
0x65: {  	v7, v8, _ =	vpop (xrf1)  }
0x66: {  	v5 =	vsel vm0, v7, v5;
	v6 =	vsel vm0, v8, v6  }
0x67: {  	(xrf1) =	vsort.dscd.msk.f32 $0xffff, v5, v6;
	_ =	sdelay $0xd  }
0x68: {  	s11 =	sadd.s32 $0x10, s11;
	v5, v6, _ =	vpop (xrf1)  }
0x69: {  	v7 =	vnsel vm0, $0x0, v5;
	[tilespmem:s11+$0xFFFFFFF8] =	vst.msk $0xff, v6  }
0x6a: {  	(xrf2) =	vadd.scan.msk.f32 $0xffff, v7;
	_ =	sdelay $0x9  }
0x6b: {  	v6, _, _ =	vpop (xrf2)  }
0x6c: {  	(v2sf) =	vpush v6, $0xF;
	_ =	sdelay $0xe  }
0x6d: {  	s16 =	spop (v2sf)  }
0x6e: {  	s16 =	sadd.f32 $9.999999680e-21, s16;
	_ =	sdelay $0x1  }
0x6f: {  	v6 =	vmov s16  }
0x70: {  	(erf) = vrcp.f32 v6;
	_ =	sdelay $0x7  }
0x71: {  	v5 =	vmul.f32 $2.500000000e+00, v5  }
0x72: {  	v6 =	vpop (erf)  }
0x73: {  	v5 =	vmul.f32 v6, v5  }
0x74: {  	s12 =	sadd.s32 $0x10, s12;
	s13 =	sadd.s32 $0x80, s13  }
0x75: {  	s16 =	sor.u32 $0x70, s13;
	[tilespmem:s12+$0xFFFFFFF8] =	vst.msk $0xff, v5  }
0x76: {  	s17 =	sor.u32 $0x50, s13;
	v5 =	vld [tilespmem:s16+$0x0]  }
0x77: {  	s16 =	sor.u32 $0x60, s13;
	v6 =	vld [tilespmem:s17+$0x0]  }
0x78: {  	v7 =	vld [tilespmem:s16+$0x0];
	_ =	sdelay $0x1  }
0x79: {  	v8 =	vld [tilespmem:s15+$0x20]  }
0x7a: {  	(xrf1) =	vsort.dscd.msk.f32 $0xffff, v5, v3  }
0x7b: {  	(xrf1) =	vsort.dscd.msk.f32 $0xffff, v6, v1  }
0x7c: {  	(xrf1) =	vsort.dscd.msk.f32 $0xffff, v7, v2;
	_ =	sdelay $0x1  }
0x7d: {  	(xrf1) =	vsort.dscd.msk.f32 $0xffff, v8, v0;
	_ =	sdelay $0x9  }
0x7e: {  	v5, v6, _ =	vpop (xrf1)  }
0x7f: {  	v5 =	vperm.xlane v5, v4;
	v6 =	vperm.xlane v6, v4;
	v7, v8, _ =	vpop (xrf1)  }
0x80: {  	v7 =	vperm.xlane v7, v4;
	v9, v10, _ =	vpop (xrf1)  }
0x81: {  	v8 =	vperm.xlane v8, v4;
	v5 =	vsel vm0, v9, v5;
	v6 =	vsel vm0, v10, v6  }
0x82: {  	v9, v10, _ =	vpop (xrf1);
	(xrf1) =	vsort.dscd.msk.f32 $0xffff, v5, v6  }
0x83: {  	v5 =	vsel vm0, v9, v7;
	v6 =	vsel vm0, v10, v8  }
0x84: {  	(xrf1) =	vsort.dscd.msk.f32 $0xffff, v5, v6;
	_ =	sdelay $0xb  }
0x85: {  	v5, v6, _ =	vpop (xrf1)  }
0x86: {  	v5 =	vperm.xlane v5, v4;
	v6 =	vperm.xlane v6, v4  }
0x87: {  	v7, v8, _ =	vpop (xrf1)  }
0x88: {  	v5 =	vsel vm0, v7, v5;
	v6 =	vsel vm0, v8, v6  }
0x89: {  	(xrf1) =	vsort.dscd.msk.f32 $0xffff, v5, v6;
	_ =	sdelay $0xd  }
0x8a: {  	v5, v6, _ =	vpop (xrf1)  }
0x8b: {  	v7 =	vnsel vm0, $0x0, v5;
	[tilespmem:s11+$0x0] =	vst.msk $0xff, v6  }
0x8c: {  	(xrf2) =	vadd.scan.msk.f32 $0xffff, v7;
	_ =	sdelay $0x9  }
0x8d: {  	v6, _, _ =	vpop (xrf2)  }
0x8e: {  	(v2sf) =	vpush v6, $0xF;
	_ =	sdelay $0xe  }
0x8f: {  	s16 =	spop (v2sf)  }
0x90: {  	s16 =	sadd.f32 $9.999999680e-21, s16;
	_ =	sdelay $0x1  }
0x91: {  	v6 =	vmov s16  }
0x92: {  	(erf) = vrcp.f32 v6;
	_ =	sdelay $0x7  }
.Ltmp0:
0x93: {  	v5 =	vmul.f32 $2.500000000e+00, v5;
	(pc) =	sbr.rel @p0 .LBB2_2-.Ltmp0, $3  }
0x94: {  	v6 =	vpop (erf)  }
0x95: {  	v5 =	vmul.f32 v6, v5;
	_ =	sdelay $0x1  }
0x96: {  	s15 =	sadd.s32 $0x80, s15;
	[tilespmem:s12+$0x0] =	vst.msk $0xff, v5  }
0x97: {  	[hbm4b:s4+s2] =	stream.linear.scatter [tilespmem:s8], [sflag:$0x1], $0x2000, $0x38;
	[tilespmem:$0x14100] =	vst v63  }
0x98: {  	s10 =	sadd.s32 $0x1, s10;
	_ =	swait.ge [sflag:s7], $0x2000  }
0x99: {  	p0 =	sne.s32 s10, s6;
	[sflag:s7] =	ssyncset.done $0x0  }
.Ltmp1:
0x9a: {  	[sflag:s7] =	ssyncadd.s32 $0xFFFFE000;
	(pc) =	sbr.rel @p0 .LBB2_1-.Ltmp1, $4  }
0x9b: {  	[hbm4b:s5+s2] =	stream.linear.scatter [tilespmem:s9], [sflag:$0x1], $0x2000, $0x38;
	[tilespmem:$0x14100] =	vst v63  }
0x9c: {  	_ =	swait.ge [sflag:s7], $0x2000  }
0x9d: {  	[sflag:s7] =	ssyncset.done $0x0  }
0x9e: {  	[sflag:s7] =	ssyncadd.s32 $0xFFFFE000  }
0x9f: {  	_ =	sfence.sel $0x180000  }
0xa0: {  	[bflag:$0x0] =	sbarrier.arrive $0xFFFF  }
0xa1: {  	p0 =	sne.s32 s1, $0x0;
	_ =	strace $0x90000047  }
0xa2: {  	s0 =	sadd.s32 @!p0 $0x100000, s0;
	[bflag:$0x2] =	sbarrier.arrive $0xFFFF  }
0xa3: {  	[sflag:s0] =	ssyncadd.tile.s32 @!p0 $0x1;
	_ =	shalt  }
.Lfunc_end2:
_tile_overlayer_lowered:
.L_overlay_start_2:
0xa4: {  	(tag) =	ssettag $0x2  }
0xa5: {  	s0 =	rddreg [dreg:$0x0];
	s2 =	stileid.u32  }
0xa6: {  	s1 =	rddreg [dreg:$0x1];
	p0 =	sne.s32 s2, $0x0  }
0xa7: {  	s3 =	rddreg [dreg:$0x2];
	[bflag:$0x3] =	sbarrier.arrive $0xFFFF;
	s2 =	simm.s32 @!p0 $0x1C01  }
0xa8: {  	[timem:s3], [sflag:s2] =	dma.local @!p0 [hbm:s0], s1  }
0xa9: {  	s0 =	simm.s32 @!p0 $0x1  }
0xaa: {  	_ =	swait.ge @!p0 [sflag:s0], s1  }
0xab: {  	s1 =	ssub.s32 @!p0 $0x0, s1;
	[sflag:s0] =	ssyncset.done @!p0 $0x0  }
0xac: {  	[sflag:s0] =	ssyncadd.s32 @!p0 s1  }
0xad: {  	[bflag:$0x3] =	sbarrier.arrive $0xFFFF  }
0xae: {  	_ =	shalt  }

</sc_bundles>
